<compile_context>
chip_gen: v7x
topology: tpu7x:2x2x1
jax: 0.10.2.dev20260603
libtpu: 0.0.44.dev20260713+nightly
codegen_flags: <defaults>
</compile_context>

<pallas_src>
import functools

import jax
import jax.numpy as jnp
from jax import lax
from jax.experimental import pallas as pl
from jax.experimental.pallas import tpu as pltpu
from jax.experimental.pallas import tpu_sc as plsc

N = 10000
E = 160000
H = 128
ALPHA = 0.5
EHS = (96000, 64000)
_NK = len(EHS)

_NC = 2
_NS = 16
_NW = _NC * _NS


def _mm(a, b):
    return jax.lax.dot_general(a, b, (((1,), (0,)), ((), ())),
                               preferred_element_type=jnp.float32)


@functools.partial(jax.jit, static_argnames=("ni",))
def _sc_gather(table, idx3d, ni):
    w = table.shape[1]
    per_w = ni // _NW
    chunk = 1000
    n_chunks = per_w // chunk
    mesh = plsc.VectorSubcoreMesh(core_axis_name="c", subcore_axis_name="s")

    @functools.partial(
        pl.kernel, mesh=mesh,
        compiler_params=pltpu.CompilerParams(use_tc_tiling_on_sc=False),
        out_type=jax.ShapeDtypeStruct((ni, w), jnp.float32),
        scratch_types=[
            pltpu.VMEM((8, 125), jnp.int32),
            pltpu.VMEM((chunk, w), jnp.float32),
            pltpu.SemaphoreType.DMA,
        ],
    )
    def k(table_hbm, idx_hbm, out_hbm, idx_v, rows_v, sem):
        wid = lax.axis_index("s") * _NC + lax.axis_index("c")
        my_idx = idx_hbm.at[wid]

        def body(c, _):
            pltpu.sync_copy(my_idx.at[pl.ds(c * 8, 8)], idx_v)
            cps = [
                pltpu.async_copy(table_hbm.at[idx_v.at[j]],
                                 rows_v.at[pl.ds(j * 125, 125)], sem)
                for j in range(8)
            ]
            for cp in cps:
                cp.wait()
            pltpu.sync_copy(rows_v,
                            out_hbm.at[pl.ds(wid * per_w + c * chunk, chunk)])
            return 0

        lax.fori_loop(0, n_chunks, body, 0)

    return k(table, idx3d)


@functools.partial(jax.jit, static_argnames=("d",))
def _sc_scatter(msgs, dst3d, init, d):
    ne = msgs.shape[0]
    chained = init.ndim == 3
    per_w = ne // _NW
    chunk = 1000
    n_chunks = per_w // chunk
    mesh = plsc.VectorSubcoreMesh(core_axis_name="c", subcore_axis_name="s")

    @functools.partial(
        pl.kernel, mesh=mesh,
        compiler_params=pltpu.CompilerParams(use_tc_tiling_on_sc=False),
        out_type=jax.ShapeDtypeStruct((_NC, N, d), jnp.float32),
        scratch_types=[
            pltpu.VMEM((8, 125), jnp.int32),
            pltpu.VMEM((chunk, d), jnp.float32),
            pltpu.SemaphoreType.DMA,
            pltpu.VMEM_SHARED((N, d), jnp.float32),
        ],
    )
    def k(msg_hbm, dst_hbm, init_hbm, out_hbm, idx_v, m_v, sem, acc):
        cid = lax.axis_index("c")
        sid = lax.axis_index("s")
        wid = sid * _NC + cid
        base = wid * per_w
        my_dst = dst_hbm.at[wid]
        src = init_hbm.at[cid] if chained else init_hbm

        @pl.when(sid < 15)
        def _():
            s = pl.ds(sid * 640, 640)
            pltpu.sync_copy(src.at[s], acc.at[s])

        @pl.when(sid == 15)
        def _():
            s = pl.ds(9600, 400)
            pltpu.sync_copy(src.at[s], acc.at[s])

        plsc.subcore_barrier()

        def body(c, _):
            pltpu.sync_copy(my_dst.at[pl.ds(c * 8, 8)], idx_v)
            pltpu.sync_copy(msg_hbm.at[pl.ds(base + c * chunk, chunk)], m_v)
            for j in range(8):
                pltpu.sync_copy(m_v.at[pl.ds(j * 125, 125)],
                                acc.at[idx_v.at[j]], add=True)
            return 0

        lax.fori_loop(0, n_chunks, body, 0)

        plsc.subcore_barrier()
        @pl.when(sid < 15)
        def _():
            s = pl.ds(sid * 640, 640)
            pltpu.sync_copy(acc.at[s], out_hbm.at[cid].at[s])

        @pl.when(sid == 15)
        def _():
            s = pl.ds(9600, 400)
            pltpu.sync_copy(acc.at[s], out_hbm.at[cid].at[s])

    return k(msgs, dst3d, init)


_BN = 1000
_BE = 2000


def _full(shape):
    nd = len(shape)
    return pl.BlockSpec(shape, lambda i, _nd=nd: (0,) * _nd)


def _rows(shape, bs):
    blk = (bs,) + shape[1:]
    nd = len(shape)
    return pl.BlockSpec(blk, lambda i, _nd=nd: (i,) + (0,) * (_nd - 1))


def _tc_call(body, grid, in_arrays, in_row_flags, out_shapes, out_bs):
    in_specs = [
        _rows(a.shape, bs) if bs else _full(a.shape)
        for a, bs in zip(in_arrays, in_row_flags)
    ]
    out_specs = [_rows(s.shape, out_bs) for s in out_shapes]
    return pl.pallas_call(
        body, grid=grid, in_specs=in_specs, out_specs=out_specs,
        out_shape=out_shapes,
    )(*in_arrays)


def _node_enc(x, w1e, w2e, w1h, w2h):
    def body(x_r, w1e_r, w2e_r, w1h_r, w2h_r, oe_r, oh_r):
        xb = x_r[...]
        oe_r[...] = jnp.maximum(_mm(jnp.maximum(_mm(xb, w1e_r[...]), 0.0),
                                    w2e_r[...]), 0.0)
        oh_r[...] = jnp.maximum(_mm(jnp.maximum(_mm(xb, w1h_r[...]), 0.0),
                                    w2h_r[...]), 0.0)

    outs = [jax.ShapeDtypeStruct((N, H), jnp.float32)] * 2
    return _tc_call(body, (N // _BN,), [x, w1e, w2e, w1h, w2h],
                    [_BN, 0, 0, 0, 0], outs, _BN)


def _edge_enc(ea, w1e, w2e, w1h, w2h):
    ne = ea.shape[0]

    def body(ea_r, w1e_r, w2e_r, w1h_r, w2h_r, oe_r, oh_r):
        eb = ea_r[...]
        oe_r[...] = jnp.maximum(_mm(jnp.maximum(_mm(eb, w1e_r[...]), 0.0),
                                    w2e_r[...]), 0.0)
        oh_r[...] = jnp.maximum(_mm(jnp.maximum(_mm(eb, w1h_r[...]), 0.0),
                                    w2h_r[...]), 0.0)

    outs = [jax.ShapeDtypeStruct((ne, 64), jnp.float32)] * 2
    return _tc_call(body, (ne // _BE,), [ea, w1e, w2e, w1h, w2h],
                    [_BE, 0, 0, 0, 0], outs, _BE)


def _edge_rel(g, e_prev, w1, b1, w2, b2, mask=None):
    ne = g.shape[0]
    use_mask = mask is not None

    def body(*refs):
        if use_mask:
            (g_r, e_r, mk_r, w1_r, b1_r, w2_r, b2_r, me_r, en_r) = refs
        else:
            (g_r, e_r, w1_r, b1_r, w2_r, b2_r, me_r, en_r) = refs
        eb = e_r[...]
        if use_mask:
            eb = eb * mk_r[...]
        cat = jnp.concatenate([g_r[...], eb], axis=1)
        hidden = jnp.maximum(_mm(cat, w1_r[...]) + b1_r[...][None, :], 0.0)
        m = _mm(hidden, w2_r[...]) + b2_r[...][None, :]
        me_r[...] = m * mk_r[...] if use_mask else m
        en_r[...] = jnp.maximum(m, 0.0)

    arrays = [g, e_prev] + ([mask] if use_mask else []) + [w1, b1, w2, b2]
    flags = [_BE, _BE] + ([_BE] if use_mask else []) + [0, 0, 0, 0]
    outs = [jax.ShapeDtypeStruct((ne, 64), jnp.float32)] * 2
    return _tc_call(body, (ne // _BE,), arrays, flags, outs, _BE)


def _edge_rel_e_only(g, e_prev, w1, b1, w2, b2):
    ne = g.shape[0]

    def body(g_r, e_r, w1_r, b1_r, w2_r, b2_r, en_r):
        cat = jnp.concatenate([g_r[...], e_r[...]], axis=1)
        hidden = jnp.maximum(_mm(cat, w1_r[...]) + b1_r[...][None, :], 0.0)
        m = _mm(hidden, w2_r[...]) + b2_r[...][None, :]
        en_r[...] = jnp.maximum(m, 0.0)

    arrays = [g, e_prev, w1, b1, w2, b2]
    flags = [_BE, _BE, 0, 0, 0, 0]
    outs = [jax.ShapeDtypeStruct((ne, 64), jnp.float32)]
    return _tc_call(body, (ne // _BE,), arrays, flags, outs, _BE)[0]


def _node_obj(x, parts, wo1, bo1, wo2, bo2):
    def body(x_r, p_r, wo1_r, bo1_r, wo2_r, bo2_r, o_r):
        xb = x_r[...]
        agg = p_r[0] + p_r[1]
        cat = jnp.concatenate([xb, agg], axis=1)
        hidden = jnp.maximum(_mm(cat, wo1_r[...]) + bo1_r[...][None, :], 0.0)
        xn = _mm(hidden, wo2_r[...]) + bo2_r[...][None, :]
        o_r[...] = ALPHA * xb + (1.0 - ALPHA) * jnp.maximum(xn, 0.0)

    def pspec():
        return pl.BlockSpec((2, _BN, 64), lambda i: (0, i, 0))

    in_specs = [_rows(x.shape, _BN), pspec(), _full(wo1.shape),
                _full(bo1.shape), _full(wo2.shape), _full(bo2.shape)]
    out_shape = jax.ShapeDtypeStruct((N, H), jnp.float32)
    return pl.pallas_call(
        body, grid=(N // _BN,), in_specs=in_specs,
        out_specs=_rows((N, H), _BN), out_shape=out_shape,
    )(x, parts, wo1, bo1, wo2, bo2)


def _w_mlp(e0, e1, e2, e3, w1, b1, w2, b2, w3, b3):
    ne = e0.shape[0]

    def body(e0_r, e1_r, e2_r, e3_r, w1_r, b1_r, w2_r, b2_r, w3_r, b3_r,
             ew_r, mk_r):
        cat = jnp.concatenate([e0_r[...], e1_r[...], e2_r[...], e3_r[...]],
                              axis=1)
        h1 = jnp.maximum(_mm(cat, w1_r[...]) + b1_r[...][None, :], 0.0)
        h2 = jnp.maximum(_mm(h1, w2_r[...]) + b2_r[...][None, :], 0.0)
        logit = _mm(h2, w3_r[...]) + b3_r[...][None, :]
        ew = jax.nn.sigmoid(logit)
        ew_r[...] = ew
        mk_r[...] = (ew > 0.5).astype(jnp.float32)

    arrays = [e0, e1, e2, e3, w1, b1, w2, b2, w3, b3]
    flags = [_BE, _BE, _BE, _BE, 0, 0, 0, 0, 0, 0]
    outs = [jax.ShapeDtypeStruct((ne, 1), jnp.float32)] * 2
    return _tc_call(body, (ne // _BE,), arrays, flags, outs, _BE)


def _p_rel(g, e0, e1, e2, e3, mask, w1, b1, w2, b2):
    ne = g.shape[0]

    def body(g_r, e0_r, e1_r, e2_r, e3_r, mk_r, w1_r, b1_r, w2_r, b2_r,
             o_r):
        mk = mk_r[...]
        cat = jnp.concatenate(
            [g_r[...], e0_r[...] * mk, e1_r[...] * mk, e2_r[...] * mk,
             e3_r[...] * mk], axis=1)
        hidden = jnp.maximum(_mm(cat, w1_r[...]) + b1_r[...][None, :], 0.0)
        m = (_mm(hidden, w2_r[...]) + b2_r[...][None, :]) * mk
        o_r[...] = jnp.concatenate(
            [m, jnp.zeros((m.shape[0], 15), jnp.float32)], axis=1)

    arrays = [g, e0, e1, e2, e3, mask, w1, b1, w2, b2]
    flags = [_BE, _BE, _BE, _BE, _BE, _BE, 0, 0, 0, 0]
    outs = [jax.ShapeDtypeStruct((ne, 16), jnp.float32)]
    return _tc_call(body, (ne // _BE,), arrays, flags, outs, _BE)[0]


def _final_node(h, parts, bw1, bb1, bw2, bb2, bw3, bb3,
                xw1, xb1, xw2, xb2, xw3, xb3,
                pwh, pwa, pb1, pw2, pb2):
    def body(h_r, p_r, bw1_r, bb1_r, bw2_r, bb2_r, bw3_r, bb3_r,
             xw1_r, xb1_r, xw2_r, xb2_r, xw3_r, xb3_r,
             pwh_r, pwa_r, pb1_r, pw2_r, pb2_r,
             beta_r, hout_r, trk_r):
        hb = h_r[...]
        agg = (p_r[0] + p_r[1])[:, 0:1]
        b1h = jnp.maximum(_mm(hb, bw1_r[...]) + bb1_r[...][None, :], 0.0)
        b2h = jnp.maximum(_mm(b1h, bw2_r[...]) + bb2_r[...][None, :], 0.0)
        beta_r[...] = jax.nn.sigmoid(_mm(b2h, bw3_r[...]) +
                                     bb3_r[...][None, :]) + 1e-08
        x1h = jnp.maximum(_mm(hb, xw1_r[...]) + xb1_r[...][None, :], 0.0)
        x2h = jnp.maximum(_mm(x1h, xw2_r[...]) + xb2_r[...][None, :], 0.0)
        hout_r[...] = _mm(x2h, xw3_r[...]) + xb3_r[...][None, :]
        p1h = jnp.maximum(_mm(hb, pwh_r[...]) + agg * pwa_r[...][None, :] +
                          pb1_r[...][None, :], 0.0)
        trk_r[...] = _mm(p1h, pw2_r[...]) + pb2_r[...][None, :]

    def pspec():
        return pl.BlockSpec((2, _BN, 16), lambda i: (0, i, 0))

    weights = [bw1, bb1, bw2, bb2, bw3, bb3, xw1, xb1, xw2, xb2, xw3, xb3,
               pwh, pwa, pb1, pw2, pb2]
    in_specs = [_rows(h.shape, _BN), pspec()] + \
        [_full(w.shape) for w in weights]
    outs = [jax.ShapeDtypeStruct((N, 1), jnp.float32),
            jax.ShapeDtypeStruct((N, 24), jnp.float32),
            jax.ShapeDtypeStruct((N, 1), jnp.float32)]
    out_specs = [_rows(o.shape, _BN) for o in outs]
    return pl.pallas_call(
        body, grid=(N // _BN,), in_specs=in_specs, out_specs=out_specs,
        out_shape=outs,
    )(h, parts, *weights)


def _resin(h, e_halves, idx3ds, dst3ds, zeros64, layer_params, masks=None,
           skip_last_node=False):
    e_lists = [[eh] for eh in e_halves]
    last = len(layer_params) - 1
    for li, p in enumerate(layer_params):
        wr1, br1 = p["rel"][0]
        wr2, br2 = p["rel"][1]
        gs = [_sc_gather(h, idx3ds[k], 2 * EHS[k]).reshape(EHS[k], 2 * H)
              for k in range(_NK)]
        if skip_last_node and li == last:
            for k in range(_NK):
                e_lists[k].append(
                    _edge_rel_e_only(gs[k], e_lists[k][-1], wr1, br1,
                                     wr2, br2))
            break
        wo1, bo1 = p["obj"][0]
        wo2, bo2 = p["obj"][1]
        parts = zeros64
        for k in range(_NK):
            m_eff, e_next = _edge_rel(
                gs[k], e_lists[k][-1], wr1, br1, wr2, br2,
                mask=None if masks is None else masks[k])
            parts = _sc_scatter(m_eff, dst3ds[k], parts, 64)
            e_lists[k].append(e_next)
        h = _node_obj(h, parts, wo1, bo1, wo2, bo2)
    return h, e_lists


def kernel(x, edge_index, edge_attr, params):
    offs = [sum(EHS[:i]) for i in range(_NK)]
    idx3ds = [edge_index[:, o:o + eh].T.reshape(_NW, -1, 125)
              for o, eh in zip(offs, EHS)]
    dst3ds = [edge_index[1, o:o + eh].reshape(_NW, -1, 125)
              for o, eh in zip(offs, EHS)]
    zeros64 = jnp.zeros((N, 64), jnp.float32)
    zeros16 = jnp.zeros((N, 16), jnp.float32)

    h_ec, h_hc = _node_enc(x, params["ec_node_enc"][0][0],
                           params["ec_node_enc"][1][0],
                           params["hc_node_enc"][0][0],
                           params["hc_node_enc"][1][0])
    e_enc = [_edge_enc(edge_attr[o:o + eh], params["ec_edge_enc"][0][0],
                       params["ec_edge_enc"][1][0],
                       params["hc_edge_enc"][0][0],
                       params["hc_edge_enc"][1][0])
             for o, eh in zip(offs, EHS)]

    _, e_lists_ec = _resin(h_ec, [ee[0] for ee in e_enc], idx3ds, dst3ds,
                           zeros64, params["ec_resin"], skip_last_node=True)
    (ww1, wb1), (ww2, wb2), (ww3, wb3) = params["W_mlp"]
    ew_mk = [_w_mlp(*e_lists_ec[k], ww1, wb1, ww2, wb2, ww3, wb3)
             for k in range(_NK)]
    masks = [ew_mk[k][1] for k in range(_NK)]

    h_hc, e_lists_hc = _resin(h_hc, [ee[1] for ee in e_enc], idx3ds,
                              dst3ds, zeros64, params["hc_resin"],
                              masks=masks)

    pr1, prb1 = params["P_in"]["rel"][0]
    pr2, prb2 = params["P_in"]["rel"][1]
    p_part = zeros16
    for k in range(_NK):
        g_p = _sc_gather(h_hc, idx3ds[k], 2 * EHS[k]).reshape(EHS[k], 2 * H)
        m_p = _p_rel(g_p, *e_lists_hc[k], masks[k], pr1, prb1, pr2, prb2)
        p_part = _sc_scatter(m_p, dst3ds[k], p_part, 16)

    (bw1, bb1), (bw2, bb2), (bw3, bb3) = params["B_mlp"]
    (xw1, xb1), (xw2, xb2), (xw3, xb3) = params["X_mlp"]
    po1, pob1 = params["P_in"]["obj"][0]
    po2, pob2 = params["P_in"]["obj"][1]
    beta, h_out, track = _final_node(
        h_hc, p_part, bw1, bb1, bw2, bb2, bw3, bb3,
        xw1, xb1, xw2, xb2, xw3, xb3,
        po1[0:H], po1[H], pob1, po2, pob2)

    edge_weights = jnp.concatenate([ew_mk[k][0] for k in range(_NK)],
                                   axis=0) if _NK > 1 else ew_mk[0][0]
    return edge_weights, h_out, beta, track

# --- scband reference (transcript-rebuilt; emitter-appended) ---
"""Pipeline reference for scband-graph-tcn-84361747628554 (READ-ONLY COPY).

The authoritative reference and input builder live on the scoring server;
editing this copy changes nothing except your own understanding.
"""

import jax, jax.numpy as jnp
import numpy as np

N_NODES = 10000
N_EDGES = 160000
NODE_INDIM = 256
EDGE_INDIM = 16
H_DIM = 128
E_DIM = 64
H_OUTDIM = 24
HIDDEN = 256
L_EC = 3
L_HC = 3
ALPHA_EC = 0.5
ALPHA_HC = 0.5


def _mlp_init(key, dims, bias=True):
    layers = []
    for a, b in zip(dims[:-1], dims[1:]):
        key, k1 = jax.random.split(key)
        W = jax.random.normal(k1, (a, b), dtype=jnp.float32) / np.sqrt(a)
        bb = jnp.zeros((b,), dtype=jnp.float32) if bias else None
        layers.append((W, bb))
    return layers


def _mlp_apply(layers, x):
    n = len(layers)
    for i, (W, b) in enumerate(layers):
        x = x @ W
        if b is not None:
            x = x + b
        if i < n - 1:
            x = jax.nn.relu(x)
    return x


def _in_init(key, node_indim, edge_indim, node_outdim, edge_outdim, node_hidden, edge_hidden):
    k1, k2 = jax.random.split(key)
    rel = _mlp_init(k1, [2 * node_indim + edge_indim, edge_hidden, edge_outdim])
    obj = _mlp_init(k2, [node_indim + edge_outdim, node_hidden, node_outdim])
    return {"rel": rel, "obj": obj}


def _in_apply(params, x, src, dst, edge_attr, n_nodes, mask=None):
    m = _mlp_apply(params["rel"], jnp.concatenate([x[src], x[dst], edge_attr], axis=1))
    m_eff = m if mask is None else m * mask
    agg = jax.ops.segment_sum(m_eff, dst, num_segments=n_nodes)
    x_out = _mlp_apply(params["obj"], jnp.concatenate([x, agg], axis=1))
    return x_out, m


def _resin_apply(layer_params, alpha, x, src, dst, edge_attr, n_nodes, mask=None):
    edge_attrs = [edge_attr]
    for p in layer_params:
        x_new, e_new = _in_apply(p, x, src, dst, edge_attr, n_nodes, mask=mask)
        x = alpha * x + (1.0 - alpha) * jax.nn.relu(x_new)
        edge_attr = jax.nn.relu(e_new)
        if mask is not None:
            edge_attr = edge_attr * mask
        edge_attrs.append(edge_attr)
    return x, edge_attr, edge_attrs


def _init_params(key):
    ks = jax.random.split(key, 10)
    params = {
        "ec_node_enc": _mlp_init(ks[0], [NODE_INDIM, HIDDEN, H_DIM], bias=False),
        "ec_edge_enc": _mlp_init(ks[1], [EDGE_INDIM, HIDDEN, E_DIM], bias=False),
        "ec_resin": [_in_init(jax.random.fold_in(ks[2], i), H_DIM, E_DIM, H_DIM, E_DIM, HIDDEN, HIDDEN) for i in range(L_EC)],
        "hc_node_enc": _mlp_init(ks[3], [NODE_INDIM, HIDDEN, H_DIM], bias=False),
        "hc_edge_enc": _mlp_init(ks[4], [EDGE_INDIM, HIDDEN, E_DIM], bias=False),
        "hc_resin": [_in_init(jax.random.fold_in(ks[5], i), H_DIM, E_DIM, H_DIM, E_DIM, HIDDEN, HIDDEN) for i in range(L_HC)],
        "W_mlp": _mlp_init(ks[6], [E_DIM * (L_EC + 1), HIDDEN, HIDDEN, 1]),
        "B_mlp": _mlp_init(ks[7], [H_DIM, HIDDEN, HIDDEN, 1]),
        "X_mlp": _mlp_init(ks[8], [H_DIM, HIDDEN, HIDDEN, H_OUTDIM]),
        "P_in": _in_init(ks[9], H_DIM, E_DIM * (L_HC + 1), 1, 1, HIDDEN, HIDDEN),
    }
    return params


def _forward(params, x, edge_attr, edge_index):
    src = edge_index[0]
    dst = edge_index[1]
    # --- edge classifier branch ---
    h_ec = jax.nn.relu(_mlp_apply(params["ec_node_enc"], x))
    e_ec = jax.nn.relu(_mlp_apply(params["ec_edge_enc"], edge_attr))
    h_ec, _, e_attrs_ec = _resin_apply(params["ec_resin"], ALPHA_EC, h_ec, src, dst, e_ec, N_NODES)
    e_cat_ec = jnp.concatenate(e_attrs_ec, axis=1)
    edge_weights = jax.nn.sigmoid(_mlp_apply(params["W_mlp"], e_cat_ec))
    # Edge filtering (edge_weights > 0.5) is emulated with a static-shape
    # multiplicative mask on messages: under sum aggregation this yields node
    # states identical to physically dropping the edges.
    mask = (edge_weights > 0.5).astype(x.dtype)  # [E, 1]
    # --- track condenser branch ---
    h_hc = jax.nn.relu(_mlp_apply(params["hc_node_enc"], x))
    e_hc = jax.nn.relu(_mlp_apply(params["hc_edge_enc"], edge_attr)) * mask
    h_hc, _, e_attrs_hc = _resin_apply(params["hc_resin"], ALPHA_HC, h_hc, src, dst, e_hc, N_NODES, mask=mask)
    beta = jax.nn.sigmoid(_mlp_apply(params["B_mlp"], h_hc)) + 1e-08
    h = _mlp_apply(params["X_mlp"], h_hc)
    track_params, _ = _in_apply(params["P_in"], h_hc, src, dst, jnp.concatenate(e_attrs_hc, axis=1), N_NODES, mask=mask)
    return edge_weights, h, beta, track_params


def setup_inputs(seed: int = 0) -> dict:
    key = jax.random.key(seed)
    k1, k2, k3, k4 = jax.random.split(key, 4)
    x = jax.random.normal(k1, (N_NODES, NODE_INDIM), dtype=jnp.float32)
    edge_index = jax.random.randint(k2, (2, N_EDGES), 0, N_NODES, dtype=jnp.int32)
    edge_attr = jax.random.normal(k3, (N_EDGES, EDGE_INDIM), dtype=jnp.float32)
    params = _init_params(k4)
    return {"x": x, "edge_index": edge_index, "edge_attr": edge_attr, "params": params}


def reference(x, edge_index, edge_attr, params):
    # Returns (W, H, B, P) matching the torch module's output dict values.
    return _forward(params, x, edge_attr, edge_index)

if __name__ == "__main__":
    import jax
    _d = setup_inputs()
    print(jax.jit(kernel)(*tuple(_d.values())))

</pallas_src>

<mosaic_0001>
#map = affine_map<(d0, d1) -> (0, 0)>
#map1 = affine_map<(d0, d1) -> (0, 0, 0)>
module attributes {stable_mosaic.version = 14 : i64} {
  func.func @k(%arg0: i32, %arg1: i32, %arg2: memref<10000x128xf32, #tpu.memory_space<hbm>>, %arg3: memref<32x48x125xi32, #tpu.memory_space<hbm>>, %arg4: memref<192000x128xf32, #tpu.memory_space<hbm>>, %arg5: memref<8x125xi32, #tpu.memory_space<vmem>>, %arg6: memref<1000x128xf32, #tpu.memory_space<vmem>>, %arg7: memref<!tpu.dma_semaphore, #tpu.memory_space<semaphore_mem>>) attributes {dimension_semantics = [#tpu.dimension_semantics<core_parallel>, #tpu.dimension_semantics<subcore_parallel>], iteration_bounds = array<i64: 2, 16>, scalar_prefetch = 0 : i64, scratch_operands = 3 : i64, tpu.core_type = #tpu.core_type<sc_vector_subcore>, window_params = [{transform_indices = #map}, {transform_indices = #map1}, {transform_indices = #map}]} {
    %mul3A = arith.constant 2 : i32
    %mul3A_0 = arith.muli %arg1, %mul3A : i32
    %add3A = arith.addi %mul3A_0, %arg0 : i32
    %scan3A = arith.constant 0 : i32
    %scan3A_1 = arith.constant 0 : i32
    %scan3A_2 = arith.constant 6 : i32
    %scan3A_3 = arith.addi %scan3A_1, %scan3A_2 : i32
    %scan3A_4 = arith.constant 1 : i32
    %scan3A_5 = scf.for %scan3A_7 = %scan3A_1 to %scan3A_3 step %scan3A_4 iter_args(%scan3A_8 = %scan3A) -> (i32)  : i32 {
      %mul3A_9 = arith.constant 8 : i32
      %mul3A_10 = arith.muli %scan3A_7, %mul3A_9 : i32
      "tpu.region"() ({
        %run_scoped3A = tpu.sem_alloc : memref<!tpu.dma_semaphore, #tpu.memory_space<semaphore_mem>>
        %dma_start3A_175 = arith.constant 0 : i32
        %dma_start3A_176 = arith.constant 0 : i32
        %dma_start3A_177 = tpu.memref_slice %arg3[%add3A, %dma_start3A_175, %dma_start3A_176] : memref<32x48x125xi32, #tpu.memory_space<hbm>> -> memref<1x48x125xi32, #tpu.memory_space<hbm>>
        %dma_start3A_178 = tpu.memref_squeeze %dma_start3A_177 : memref<1x48x125xi32, #tpu.memory_space<hbm>> -> memref<48x125xi32, #tpu.memory_space<hbm>>
        %dma_start3A_179 = arith.constant 0 : i32
        %dma_start3A_180 = tpu.memref_slice %dma_start3A_178[%mul3A_10, %dma_start3A_179] : memref<48x125xi32, #tpu.memory_space<hbm>> -> memref<8x125xi32, #tpu.memory_space<hbm>>
        %dma_start3A_181 = arith.constant 0 : i32
        %dma_start3A_182 = arith.constant 0 : i32
        %dma_start3A_183 = tpu.memref_slice %arg3[%add3A, %dma_start3A_181, %dma_start3A_182] : memref<32x48x125xi32, #tpu.memory_space<hbm>> -> memref<1x48x125xi32, #tpu.memory_space<hbm>>
        %dma_start3A_184 = tpu.memref_squeeze %dma_start3A_183 : memref<1x48x125xi32, #tpu.memory_space<hbm>> -> memref<48x125xi32, #tpu.memory_space<hbm>>
        %dma_start3A_185 = arith.constant 0 : i32
        %dma_start3A_186 = tpu.memref_slice %dma_start3A_184[%mul3A_10, %dma_start3A_185] : memref<48x125xi32, #tpu.memory_space<hbm>> -> memref<8x125xi32, #tpu.memory_space<hbm>>
        tpu.enqueue_dma source(%dma_start3A_186 : memref<8x125xi32, #tpu.memory_space<hbm>>) target(%arg5 : memref<8x125xi32, #tpu.memory_space<vmem>>) target_semaphore(%run_scoped3A : memref<!tpu.dma_semaphore, #tpu.memory_space<semaphore_mem>>)
        %dma_wait3A_187 = arith.constant 0 : i32
        %dma_wait3A_188 = arith.constant 0 : i32
        %dma_wait3A_189 = tpu.memref_slice %arg3[%add3A, %dma_wait3A_187, %dma_wait3A_188] : memref<32x48x125xi32, #tpu.memory_space<hbm>> -> memref<1x48x125xi32, #tpu.memory_space<hbm>>
        %dma_wait3A_190 = tpu.memref_squeeze %dma_wait3A_189 : memref<1x48x125xi32, #tpu.memory_space<hbm>> -> memref<48x125xi32, #tpu.memory_space<hbm>>
        %dma_wait3A_191 = arith.constant 0 : i32
        %dma_wait3A_192 = tpu.memref_slice %dma_wait3A_190[%mul3A_10, %dma_wait3A_191] : memref<48x125xi32, #tpu.memory_space<hbm>> -> memref<8x125xi32, #tpu.memory_space<hbm>>
        %dma_wait3A_193 = arith.constant 0 : i32
        %dma_wait3A_194 = arith.constant 0 : i32
        %dma_wait3A_195 = tpu.memref_slice %arg3[%add3A, %dma_wait3A_193, %dma_wait3A_194] : memref<32x48x125xi32, #tpu.memory_space<hbm>> -> memref<1x48x125xi32, #tpu.memory_space<hbm>>
        %dma_wait3A_196 = tpu.memref_squeeze %dma_wait3A_195 : memref<1x48x125xi32, #tpu.memory_space<hbm>> -> memref<48x125xi32, #tpu.memory_space<hbm>>
        %dma_wait3A_197 = arith.constant 0 : i32
        %dma_wait3A_198 = tpu.memref_slice %dma_wait3A_196[%mul3A_10, %dma_wait3A_197] : memref<48x125xi32, #tpu.memory_space<hbm>> -> memref<8x125xi32, #tpu.memory_space<hbm>>
        tpu.wait_dma2 semaphore(%run_scoped3A : memref<!tpu.dma_semaphore, #tpu.memory_space<semaphore_mem>>) src(%dma_wait3A_198 : memref<8x125xi32, #tpu.memory_space<hbm>>) dst(%arg5 : memref<8x125xi32, #tpu.memory_space<vmem>>)
        tpu.yield
      }) : () -> ()
      %dma_start3A = arith.constant 0 : i32
      %dma_start3A_11 = arith.constant 0 : i32
      %dma_start3A_12 = arith.constant 0 : i32
      %dma_start3A_13 = tpu.memref_slice %arg6[%dma_start3A_11, %dma_start3A_12] : memref<1000x128xf32, #tpu.memory_space<vmem>> -> memref<125x128xf32, #tpu.memory_space<vmem>>
      %dma_start3A_14 = arith.constant 0 : i32
      %dma_start3A_15 = tpu.memref_slice %arg5[%dma_start3A, %dma_start3A_14] : memref<8x125xi32, #tpu.memory_space<vmem>> -> memref<1x125xi32, #tpu.memory_space<vmem>>
      %dma_start3A_16 = tpu.memref_squeeze %dma_start3A_15 : memref<1x125xi32, #tpu.memory_space<vmem>> -> memref<125xi32, #tpu.memory_space<vmem>>
      %dma_start3A_17 = arith.constant 0 : i32
      %dma_start3A_18 = arith.constant 0 : i32
      %dma_start3A_19 = tpu.memref_slice %arg2[%dma_start3A_17, %dma_start3A_18] : memref<10000x128xf32, #tpu.memory_space<hbm>> -> memref<10000x128xf32, #tpu.memory_space<hbm>>
      tpu.enqueue_indirect_dma source(%dma_start3A_19 : memref<10000x128xf32, #tpu.memory_space<hbm>>) target(%dma_start3A_13 : memref<125x128xf32, #tpu.memory_space<vmem>>) offsets(%dma_start3A_16 : memref<125xi32, #tpu.memory_space<vmem>>) semaphore(%arg7 : memref<!tpu.dma_semaphore, #tpu.memory_space<semaphore_mem>>)
      %dma_start3A_20 = arith.constant 1 : i32
      %dma_start3A_21 = arith.constant 125 : i32
      %dma_start3A_22 = arith.constant 0 : i32
      %dma_start3A_23 = tpu.memref_slice %arg6[%dma_start3A_21, %dma_start3A_22] : memref<1000x128xf32, #tpu.memory_space<vmem>> -> memref<125x128xf32, #tpu.memory_space<vmem>>
      %dma_start3A_24 = arith.constant 0 : i32
      %dma_start3A_25 = tpu.memref_slice %arg5[%dma_start3A_20, %dma_start3A_24] : memref<8x125xi32, #tpu.memory_space<vmem>> -> memref<1x125xi32, #tpu.memory_space<vmem>>
      %dma_start3A_26 = tpu.memref_squeeze %dma_start3A_25 : memref<1x125xi32, #tpu.memory_space<vmem>> -> memref<125xi32, #tpu.memory_space<vmem>>
      %dma_start3A_27 = arith.constant 0 : i32
      %dma_start3A_28 = arith.constant 0 : i32
      %dma_start3A_29 = tpu.memref_slice %arg2[%dma_start3A_27, %dma_start3A_28] : memref<10000x128xf32, #tpu.memory_space<hbm>> -> memref<10000x128xf32, #tpu.memory_space<hbm>>
      tpu.enqueue_indirect_dma source(%dma_start3A_29 : memref<10000x128xf32, #tpu.memory_space<hbm>>) target(%dma_start3A_23 : memref<125x128xf32, #tpu.memory_space<vmem>>) offsets(%dma_start3A_26 : memref<125xi32, #tpu.memory_space<vmem>>) semaphore(%arg7 : memref<!tpu.dma_semaphore, #tpu.memory_space<semaphore_mem>>)
      %dma_start3A_30 = arith.constant 2 : i32
      %dma_start3A_31 = arith.constant 250 : i32
      %dma_start3A_32 = arith.constant 0 : i32
      %dma_start3A_33 = tpu.memref_slice %arg6[%dma_start3A_31, %dma_start3A_32] : memref<1000x128xf32, #tpu.memory_space<vmem>> -> memref<125x128xf32, #tpu.memory_space<vmem>>
      %dma_start3A_34 = arith.constant 0 : i32
      %dma_start3A_35 = tpu.memref_slice %arg5[%dma_start3A_30, %dma_start3A_34] : memref<8x125xi32, #tpu.memory_space<vmem>> -> memref<1x125xi32, #tpu.memory_space<vmem>>
      %dma_start3A_36 = tpu.memref_squeeze %dma_start3A_35 : memref<1x125xi32, #tpu.memory_space<vmem>> -> memref<125xi32, #tpu.memory_space<vmem>>
      %dma_start3A_37 = arith.constant 0 : i32
      %dma_start3A_38 = arith.constant 0 : i32
      %dma_start3A_39 = tpu.memref_slice %arg2[%dma_start3A_37, %dma_start3A_38] : memref<10000x128xf32, #tpu.memory_space<hbm>> -> memref<10000x128xf32, #tpu.memory_space<hbm>>
      tpu.enqueue_indirect_dma source(%dma_start3A_39 : memref<10000x128xf32, #tpu.memory_space<hbm>>) target(%dma_start3A_33 : memref<125x128xf32, #tpu.memory_space<vmem>>) offsets(%dma_start3A_36 : memref<125xi32, #tpu.memory_space<vmem>>) semaphore(%arg7 : memref<!tpu.dma_semaphore, #tpu.memory_space<semaphore_mem>>)
      %dma_start3A_40 = arith.constant 3 : i32
      %dma_start3A_41 = arith.constant 375 : i32
      %dma_start3A_42 = arith.constant 0 : i32
      %dma_start3A_43 = tpu.memref_slice %arg6[%dma_start3A_41, %dma_start3A_42] : memref<1000x128xf32, #tpu.memory_space<vmem>> -> memref<125x128xf32, #tpu.memory_space<vmem>>
      %dma_start3A_44 = arith.constant 0 : i32
      %dma_start3A_45 = tpu.memref_slice %arg5[%dma_start3A_40, %dma_start3A_44] : memref<8x125xi32, #tpu.memory_space<vmem>> -> memref<1x125xi32, #tpu.memory_space<vmem>>
      %dma_start3A_46 = tpu.memref_squeeze %dma_start3A_45 : memref<1x125xi32, #tpu.memory_space<vmem>> -> memref<125xi32, #tpu.memory_space<vmem>>
      %dma_start3A_47 = arith.constant 0 : i32
      %dma_start3A_48 = arith.constant 0 : i32
      %dma_start3A_49 = tpu.memref_slice %arg2[%dma_start3A_47, %dma_start3A_48] : memref<10000x128xf32, #tpu.memory_space<hbm>> -> memref<10000x128xf32, #tpu.memory_space<hbm>>
      tpu.enqueue_indirect_dma source(%dma_start3A_49 : memref<10000x128xf32, #tpu.memory_space<hbm>>) target(%dma_start3A_43 : memref<125x128xf32, #tpu.memory_space<vmem>>) offsets(%dma_start3A_46 : memref<125xi32, #tpu.memory_space<vmem>>) semaphore(%arg7 : memref<!tpu.dma_semaphore, #tpu.memory_space<semaphore_mem>>)
      %dma_start3A_50 = arith.constant 4 : i32
      %dma_start3A_51 = arith.constant 500 : i32
      %dma_start3A_52 = arith.constant 0 : i32
      %dma_start3A_53 = tpu.memref_slice %arg6[%dma_start3A_51, %dma_start3A_52] : memref<1000x128xf32, #tpu.memory_space<vmem>> -> memref<125x128xf32, #tpu.memory_space<vmem>>
      %dma_start3A_54 = arith.constant 0 : i32
      %dma_start3A_55 = tpu.memref_slice %arg5[%dma_start3A_50, %dma_start3A_54] : memref<8x125xi32, #tpu.memory_space<vmem>> -> memref<1x125xi32, #tpu.memory_space<vmem>>
      %dma_start3A_56 = tpu.memref_squeeze %dma_start3A_55 : memref<1x125xi32, #tpu.memory_space<vmem>> -> memref<125xi32, #tpu.memory_space<vmem>>
      %dma_start3A_57 = arith.constant 0 : i32
      %dma_start3A_58 = arith.constant 0 : i32
      %dma_start3A_59 = tpu.memref_slice %arg2[%dma_start3A_57, %dma_start3A_58] : memref<10000x128xf32, #tpu.memory_space<hbm>> -> memref<10000x128xf32, #tpu.memory_space<hbm>>
      tpu.enqueue_indirect_dma source(%dma_start3A_59 : memref<10000x128xf32, #tpu.memory_space<hbm>>) target(%dma_start3A_53 : memref<125x128xf32, #tpu.memory_space<vmem>>) offsets(%dma_start3A_56 : memref<125xi32, #tpu.memory_space<vmem>>) semaphore(%arg7 : memref<!tpu.dma_semaphore, #tpu.memory_space<semaphore_mem>>)
      %dma_start3A_60 = arith.constant 5 : i32
      %dma_start3A_61 = arith.constant 625 : i32
      %dma_start3A_62 = arith.constant 0 : i32
      %dma_start3A_63 = tpu.memref_slice %arg6[%dma_start3A_61, %dma_start3A_62] : memref<1000x128xf32, #tpu.memory_space<vmem>> -> memref<125x128xf32, #tpu.memory_space<vmem>>
      %dma_start3A_64 = arith.constant 0 : i32
      %dma_start3A_65 = tpu.memref_slice %arg5[%dma_start3A_60, %dma_start3A_64] : memref<8x125xi32, #tpu.memory_space<vmem>> -> memref<1x125xi32, #tpu.memory_space<vmem>>
      %dma_start3A_66 = tpu.memref_squeeze %dma_start3A_65 : memref<1x125xi32, #tpu.memory_space<vmem>> -> memref<125xi32, #tpu.memory_space<vmem>>
      %dma_start3A_67 = arith.constant 0 : i32
      %dma_start3A_68 = arith.constant 0 : i32
      %dma_start3A_69 = tpu.memref_slice %arg2[%dma_start3A_67, %dma_start3A_68] : memref<10000x128xf32, #tpu.memory_space<hbm>> -> memref<10000x128xf32, #tpu.memory_space<hbm>>
      tpu.enqueue_indirect_dma source(%dma_start3A_69 : memref<10000x128xf32, #tpu.memory_space<hbm>>) target(%dma_start3A_63 : memref<125x128xf32, #tpu.memory_space<vmem>>) offsets(%dma_start3A_66 : memref<125xi32, #tpu.memory_space<vmem>>) semaphore(%arg7 : memref<!tpu.dma_semaphore, #tpu.memory_space<semaphore_mem>>)
      %dma_start3A_70 = arith.constant 6 : i32
      %dma_start3A_71 = arith.constant 750 : i32
      %dma_start3A_72 = arith.constant 0 : i32
      %dma_start3A_73 = tpu.memref_slice %arg6[%dma_start3A_71, %dma_start3A_72] : memref<1000x128xf32, #tpu.memory_space<vmem>> -> memref<125x128xf32, #tpu.memory_space<vmem>>
      %dma_start3A_74 = arith.constant 0 : i32
      %dma_start3A_75 = tpu.memref_slice %arg5[%dma_start3A_70, %dma_start3A_74] : memref<8x125xi32, #tpu.memory_space<vmem>> -> memref<1x125xi32, #tpu.memory_space<vmem>>
      %dma_start3A_76 = tpu.memref_squeeze %dma_start3A_75 : memref<1x125xi32, #tpu.memory_space<vmem>> -> memref<125xi32, #tpu.memory_space<vmem>>
      %dma_start3A_77 = arith.constant 0 : i32
      %dma_start3A_78 = arith.constant 0 : i32
      %dma_start3A_79 = tpu.memref_slice %arg2[%dma_start3A_77, %dma_start3A_78] : memref<10000x128xf32, #tpu.memory_space<hbm>> -> memref<10000x128xf32, #tpu.memory_space<hbm>>
      tpu.enqueue_indirect_dma source(%dma_start3A_79 : memref<10000x128xf32, #tpu.memory_space<hbm>>) target(%dma_start3A_73 : memref<125x128xf32, #tpu.memory_space<vmem>>) offsets(%dma_start3A_76 : memref<125xi32, #tpu.memory_space<vmem>>) semaphore(%arg7 : memref<!tpu.dma_semaphore, #tpu.memory_space<semaphore_mem>>)
      %dma_start3A_80 = arith.constant 7 : i32
      %dma_start3A_81 = arith.constant 875 : i32
      %dma_start3A_82 = arith.constant 0 : i32
      %dma_start3A_83 = tpu.memref_slice %arg6[%dma_start3A_81, %dma_start3A_82] : memref<1000x128xf32, #tpu.memory_space<vmem>> -> memref<125x128xf32, #tpu.memory_space<vmem>>
      %dma_start3A_84 = arith.constant 0 : i32
      %dma_start3A_85 = tpu.memref_slice %arg5[%dma_start3A_80, %dma_start3A_84] : memref<8x125xi32, #tpu.memory_space<vmem>> -> memref<1x125xi32, #tpu.memory_space<vmem>>
      %dma_start3A_86 = tpu.memref_squeeze %dma_start3A_85 : memref<1x125xi32, #tpu.memory_space<vmem>> -> memref<125xi32, #tpu.memory_space<vmem>>
      %dma_start3A_87 = arith.constant 0 : i32
      %dma_start3A_88 = arith.constant 0 : i32
      %dma_start3A_89 = tpu.memref_slice %arg2[%dma_start3A_87, %dma_start3A_88] : memref<10000x128xf32, #tpu.memory_space<hbm>> -> memref<10000x128xf32, #tpu.memory_space<hbm>>
      tpu.enqueue_indirect_dma source(%dma_start3A_89 : memref<10000x128xf32, #tpu.memory_space<hbm>>) target(%dma_start3A_83 : memref<125x128xf32, #tpu.memory_space<vmem>>) offsets(%dma_start3A_86 : memref<125xi32, #tpu.memory_space<vmem>>) semaphore(%arg7 : memref<!tpu.dma_semaphore, #tpu.memory_space<semaphore_mem>>)
      %dma_wait3A = arith.constant 0 : i32
      %dma_wait3A_90 = arith.constant 0 : i32
      %dma_wait3A_91 = arith.constant 0 : i32
      %dma_wait3A_92 = tpu.memref_slice %arg6[%dma_wait3A_90, %dma_wait3A_91] : memref<1000x128xf32, #tpu.memory_space<vmem>> -> memref<125x128xf32, #tpu.memory_space<vmem>>
      %dma_wait3A_93 = arith.constant 0 : i32
      %dma_wait3A_94 = tpu.memref_slice %arg5[%dma_wait3A, %dma_wait3A_93] : memref<8x125xi32, #tpu.memory_space<vmem>> -> memref<1x125xi32, #tpu.memory_space<vmem>>
      %dma_wait3A_95 = tpu.memref_squeeze %dma_wait3A_94 : memref<1x125xi32, #tpu.memory_space<vmem>> -> memref<125xi32, #tpu.memory_space<vmem>>
      %dma_wait3A_96 = arith.constant 0 : i32
      %dma_wait3A_97 = arith.constant 0 : i32
      %dma_wait3A_98 = tpu.memref_slice %arg2[%dma_wait3A_96, %dma_wait3A_97] : memref<10000x128xf32, #tpu.memory_space<hbm>> -> memref<10000x128xf32, #tpu.memory_space<hbm>>
      tpu.wait_indirect_dma semaphore(%arg7 : memref<!tpu.dma_semaphore, #tpu.memory_space<semaphore_mem>>) src(%dma_wait3A_98 : memref<10000x128xf32, #tpu.memory_space<hbm>>) dst(%dma_wait3A_92 : memref<125x128xf32, #tpu.memory_space<vmem>>)
      %dma_wait3A_99 = arith.constant 1 : i32
      %dma_wait3A_100 = arith.constant 125 : i32
      %dma_wait3A_101 = arith.constant 0 : i32
      %dma_wait3A_102 = tpu.memref_slice %arg6[%dma_wait3A_100, %dma_wait3A_101] : memref<1000x128xf32, #tpu.memory_space<vmem>> -> memref<125x128xf32, #tpu.memory_space<vmem>>
      %dma_wait3A_103 = arith.constant 0 : i32
      %dma_wait3A_104 = tpu.memref_slice %arg5[%dma_wait3A_99, %dma_wait3A_103] : memref<8x125xi32, #tpu.memory_space<vmem>> -> memref<1x125xi32, #tpu.memory_space<vmem>>
      %dma_wait3A_105 = tpu.memref_squeeze %dma_wait3A_104 : memref<1x125xi32, #tpu.memory_space<vmem>> -> memref<125xi32, #tpu.memory_space<vmem>>
      %dma_wait3A_106 = arith.constant 0 : i32
      %dma_wait3A_107 = arith.constant 0 : i32
      %dma_wait3A_108 = tpu.memref_slice %arg2[%dma_wait3A_106, %dma_wait3A_107] : memref<10000x128xf32, #tpu.memory_space<hbm>> -> memref<10000x128xf32, #tpu.memory_space<hbm>>
      tpu.wait_indirect_dma semaphore(%arg7 : memref<!tpu.dma_semaphore, #tpu.memory_space<semaphore_mem>>) src(%dma_wait3A_108 : memref<10000x128xf32, #tpu.memory_space<hbm>>) dst(%dma_wait3A_102 : memref<125x128xf32, #tpu.memory_space<vmem>>)
      %dma_wait3A_109 = arith.constant 2 : i32
      %dma_wait3A_110 = arith.constant 250 : i32
      %dma_wait3A_111 = arith.constant 0 : i32
      %dma_wait3A_112 = tpu.memref_slice %arg6[%dma_wait3A_110, %dma_wait3A_111] : memref<1000x128xf32, #tpu.memory_space<vmem>> -> memref<125x128xf32, #tpu.memory_space<vmem>>
      %dma_wait3A_113 = arith.constant 0 : i32
      %dma_wait3A_114 = tpu.memref_slice %arg5[%dma_wait3A_109, %dma_wait3A_113] : memref<8x125xi32, #tpu.memory_space<vmem>> -> memref<1x125xi32, #tpu.memory_space<vmem>>
      %dma_wait3A_115 = tpu.memref_squeeze %dma_wait3A_114 : memref<1x125xi32, #tpu.memory_space<vmem>> -> memref<125xi32, #tpu.memory_space<vmem>>
      %dma_wait3A_116 = arith.constant 0 : i32
      %dma_wait3A_117 = arith.constant 0 : i32
      %dma_wait3A_118 = tpu.memref_slice %arg2[%dma_wait3A_116, %dma_wait3A_117] : memref<10000x128xf32, #tpu.memory_space<hbm>> -> memref<10000x128xf32, #tpu.memory_space<hbm>>
      tpu.wait_indirect_dma semaphore(%arg7 : memref<!tpu.dma_semaphore, #tpu.memory_space<semaphore_mem>>) src(%dma_wait3A_118 : memref<10000x128xf32, #tpu.memory_space<hbm>>) dst(%dma_wait3A_112 : memref<125x128xf32, #tpu.memory_space<vmem>>)
      %dma_wait3A_119 = arith.constant 3 : i32
      %dma_wait3A_120 = arith.constant 375 : i32
      %dma_wait3A_121 = arith.constant 0 : i32
      %dma_wait3A_122 = tpu.memref_slice %arg6[%dma_wait3A_120, %dma_wait3A_121] : memref<1000x128xf32, #tpu.memory_space<vmem>> -> memref<125x128xf32, #tpu.memory_space<vmem>>
      %dma_wait3A_123 = arith.constant 0 : i32
      %dma_wait3A_124 = tpu.memref_slice %arg5[%dma_wait3A_119, %dma_wait3A_123] : memref<8x125xi32, #tpu.memory_space<vmem>> -> memref<1x125xi32, #tpu.memory_space<vmem>>
      %dma_wait3A_125 = tpu.memref_squeeze %dma_wait3A_124 : memref<1x125xi32, #tpu.memory_space<vmem>> -> memref<125xi32, #tpu.memory_space<vmem>>
      %dma_wait3A_126 = arith.constant 0 : i32
      %dma_wait3A_127 = arith.constant 0 : i32
      %dma_wait3A_128 = tpu.memref_slice %arg2[%dma_wait3A_126, %dma_wait3A_127] : memref<10000x128xf32, #tpu.memory_space<hbm>> -> memref<10000x128xf32, #tpu.memory_space<hbm>>
      tpu.wait_indirect_dma semaphore(%arg7 : memref<!tpu.dma_semaphore, #tpu.memory_space<semaphore_mem>>) src(%dma_wait3A_128 : memref<10000x128xf32, #tpu.memory_space<hbm>>) dst(%dma_wait3A_122 : memref<125x128xf32, #tpu.memory_space<vmem>>)
      %dma_wait3A_129 = arith.constant 4 : i32
      %dma_wait3A_130 = arith.constant 500 : i32
      %dma_wait3A_131 = arith.constant 0 : i32
      %dma_wait3A_132 = tpu.memref_slice %arg6[%dma_wait3A_130, %dma_wait3A_131] : memref<1000x128xf32, #tpu.memory_space<vmem>> -> memref<125x128xf32, #tpu.memory_space<vmem>>
      %dma_wait3A_133 = arith.constant 0 : i32
      %dma_wait3A_134 = tpu.memref_slice %arg5[%dma_wait3A_129, %dma_wait3A_133] : memref<8x125xi32, #tpu.memory_space<vmem>> -> memref<1x125xi32, #tpu.memory_space<vmem>>
      %dma_wait3A_135 = tpu.memref_squeeze %dma_wait3A_134 : memref<1x125xi32, #tpu.memory_space<vmem>> -> memref<125xi32, #tpu.memory_space<vmem>>
      %dma_wait3A_136 = arith.constant 0 : i32
      %dma_wait3A_137 = arith.constant 0 : i32
      %dma_wait3A_138 = tpu.memref_slice %arg2[%dma_wait3A_136, %dma_wait3A_137] : memref<10000x128xf32, #tpu.memory_space<hbm>> -> memref<10000x128xf32, #tpu.memory_space<hbm>>
      tpu.wait_indirect_dma semaphore(%arg7 : memref<!tpu.dma_semaphore, #tpu.memory_space<semaphore_mem>>) src(%dma_wait3A_138 : memref<10000x128xf32, #tpu.memory_space<hbm>>) dst(%dma_wait3A_132 : memref<125x128xf32, #tpu.memory_space<vmem>>)
      %dma_wait3A_139 = arith.constant 5 : i32
      %dma_wait3A_140 = arith.constant 625 : i32
      %dma_wait3A_141 = arith.constant 0 : i32
      %dma_wait3A_142 = tpu.memref_slice %arg6[%dma_wait3A_140, %dma_wait3A_141] : memref<1000x128xf32, #tpu.memory_space<vmem>> -> memref<125x128xf32, #tpu.memory_space<vmem>>
      %dma_wait3A_143 = arith.constant 0 : i32
      %dma_wait3A_144 = tpu.memref_slice %arg5[%dma_wait3A_139, %dma_wait3A_143] : memref<8x125xi32, #tpu.memory_space<vmem>> -> memref<1x125xi32, #tpu.memory_space<vmem>>
      %dma_wait3A_145 = tpu.memref_squeeze %dma_wait3A_144 : memref<1x125xi32, #tpu.memory_space<vmem>> -> memref<125xi32, #tpu.memory_space<vmem>>
      %dma_wait3A_146 = arith.constant 0 : i32
      %dma_wait3A_147 = arith.constant 0 : i32
      %dma_wait3A_148 = tpu.memref_slice %arg2[%dma_wait3A_146, %dma_wait3A_147] : memref<10000x128xf32, #tpu.memory_space<hbm>> -> memref<10000x128xf32, #tpu.memory_space<hbm>>
      tpu.wait_indirect_dma semaphore(%arg7 : memref<!tpu.dma_semaphore, #tpu.memory_space<semaphore_mem>>) src(%dma_wait3A_148 : memref<10000x128xf32, #tpu.memory_space<hbm>>) dst(%dma_wait3A_142 : memref<125x128xf32, #tpu.memory_space<vmem>>)
      %dma_wait3A_149 = arith.constant 6 : i32
      %dma_wait3A_150 = arith.constant 750 : i32
      %dma_wait3A_151 = arith.constant 0 : i32
      %dma_wait3A_152 = tpu.memref_slice %arg6[%dma_wait3A_150, %dma_wait3A_151] : memref<1000x128xf32, #tpu.memory_space<vmem>> -> memref<125x128xf32, #tpu.memory_space<vmem>>
      %dma_wait3A_153 = arith.constant 0 : i32
      %dma_wait3A_154 = tpu.memref_slice %arg5[%dma_wait3A_149, %dma_wait3A_153] : memref<8x125xi32, #tpu.memory_space<vmem>> -> memref<1x125xi32, #tpu.memory_space<vmem>>
      %dma_wait3A_155 = tpu.memref_squeeze %dma_wait3A_154 : memref<1x125xi32, #tpu.memory_space<vmem>> -> memref<125xi32, #tpu.memory_space<vmem>>
      %dma_wait3A_156 = arith.constant 0 : i32
      %dma_wait3A_157 = arith.constant 0 : i32
      %dma_wait3A_158 = tpu.memref_slice %arg2[%dma_wait3A_156, %dma_wait3A_157] : memref<10000x128xf32, #tpu.memory_space<hbm>> -> memref<10000x128xf32, #tpu.memory_space<hbm>>
      tpu.wait_indirect_dma semaphore(%arg7 : memref<!tpu.dma_semaphore, #tpu.memory_space<semaphore_mem>>) src(%dma_wait3A_158 : memref<10000x128xf32, #tpu.memory_space<hbm>>) dst(%dma_wait3A_152 : memref<125x128xf32, #tpu.memory_space<vmem>>)
      %dma_wait3A_159 = arith.constant 7 : i32
      %dma_wait3A_160 = arith.constant 875 : i32
      %dma_wait3A_161 = arith.constant 0 : i32
      %dma_wait3A_162 = tpu.memref_slice %arg6[%dma_wait3A_160, %dma_wait3A_161] : memref<1000x128xf32, #tpu.memory_space<vmem>> -> memref<125x128xf32, #tpu.memory_space<vmem>>
      %dma_wait3A_163 = arith.constant 0 : i32
      %dma_wait3A_164 = tpu.memref_slice %arg5[%dma_wait3A_159, %dma_wait3A_163] : memref<8x125xi32, #tpu.memory_space<vmem>> -> memref<1x125xi32, #tpu.memory_space<vmem>>
      %dma_wait3A_165 = tpu.memref_squeeze %dma_wait3A_164 : memref<1x125xi32, #tpu.memory_space<vmem>> -> memref<125xi32, #tpu.memory_space<vmem>>
      %dma_wait3A_166 = arith.constant 0 : i32
      %dma_wait3A_167 = arith.constant 0 : i32
      %dma_wait3A_168 = tpu.memref_slice %arg2[%dma_wait3A_166, %dma_wait3A_167] : memref<10000x128xf32, #tpu.memory_space<hbm>> -> memref<10000x128xf32, #tpu.memory_space<hbm>>
      tpu.wait_indirect_dma semaphore(%arg7 : memref<!tpu.dma_semaphore, #tpu.memory_space<semaphore_mem>>) src(%dma_wait3A_168 : memref<10000x128xf32, #tpu.memory_space<hbm>>) dst(%dma_wait3A_162 : memref<125x128xf32, #tpu.memory_space<vmem>>)
      %mul3A_169 = arith.constant 6000 : i32
      %mul3A_170 = arith.muli %add3A, %mul3A_169 : i32
      %mul3A_171 = arith.constant 1000 : i32
      %mul3A_172 = arith.muli %scan3A_7, %mul3A_171 : i32
      %add3A_173 = arith.addi %mul3A_170, %mul3A_172 : i32
      "tpu.region"() ({
        %run_scoped3A = tpu.sem_alloc : memref<!tpu.dma_semaphore, #tpu.memory_space<semaphore_mem>>
        %dma_start3A_175 = arith.constant 0 : i32
        %dma_start3A_176 = tpu.memref_slice %arg4[%add3A_173, %dma_start3A_175] : memref<192000x128xf32, #tpu.memory_space<hbm>> -> memref<1000x128xf32, #tpu.memory_space<hbm>>
        %dma_start3A_177 = arith.constant 0 : i32
        %dma_start3A_178 = tpu.memref_slice %arg4[%add3A_173, %dma_start3A_177] : memref<192000x128xf32, #tpu.memory_space<hbm>> -> memref<1000x128xf32, #tpu.memory_space<hbm>>
        tpu.enqueue_dma source(%arg6 : memref<1000x128xf32, #tpu.memory_space<vmem>>) target(%dma_start3A_178 : memref<1000x128xf32, #tpu.memory_space<hbm>>) target_semaphore(%run_scoped3A : memref<!tpu.dma_semaphore, #tpu.memory_space<semaphore_mem>>)
        %dma_wait3A_179 = arith.constant 0 : i32
        %dma_wait3A_180 = tpu.memref_slice %arg4[%add3A_173, %dma_wait3A_179] : memref<192000x128xf32, #tpu.memory_space<hbm>> -> memref<1000x128xf32, #tpu.memory_space<hbm>>
        %dma_wait3A_181 = arith.constant 0 : i32
        %dma_wait3A_182 = tpu.memref_slice %arg4[%add3A_173, %dma_wait3A_181] : memref<192000x128xf32, #tpu.memory_space<hbm>> -> memref<1000x128xf32, #tpu.memory_space<hbm>>
        tpu.wait_dma2 semaphore(%run_scoped3A : memref<!tpu.dma_semaphore, #tpu.memory_space<semaphore_mem>>) src(%arg6 : memref<1000x128xf32, #tpu.memory_space<vmem>>) dst(%dma_wait3A_182 : memref<1000x128xf32, #tpu.memory_space<hbm>>)
        tpu.yield
      }) : () -> ()
      %scan3A_174 = arith.constant 0 : i32
      scf.yield %scan3A_174 : i32
    }
    %scan3A_6 = arith.constant 6 : i32
    return
  }
}

</mosaic_0001>

<sc_bundles>
// kernel: _sc_gather.3.cloned.1.call-start
scs
__scs_entry_jumppad:
0x0: {  	(pc) =	sbr.rel $0x88, $3  }
0x1: {  	(tag) =	ssettag $0x0;
	lr =	simm.s32 $0x1  }
0x2: {  	[smem:$0x3F9F] =	sst lr;
	_ =	strace $0xD0000000  }
0x3: {  	_ = 	snop  }
0x4: {  	_ = 	snop  }
0x5: {  	_ = 	snop  }
0x6: {  	_ = 	snop  }
0x7: {  	_ = 	snop  }
__scs_overlays_trampoline_lowered:
0x8: {  	[smem:$0x3FAE] =	sst s0  }
0x9: {  	[smem:$0x3FAF] =	sst s1  }
0xa: {  	[smem:$0x3FB0] =	sst s2  }
0xb: {  	[smem:$0x3FB1] =	sst s3  }
0xc: {  	[smem:$0x3FB2] =	sst s4  }
0xd: {  	[smem:$0x3FB3] =	sst s5  }
0xe: {  	[smem:$0x3FB4] =	sst s6  }
0xf: {  	[smem:$0x3FB5] =	sst s7  }
0x10: {  	[smem:$0x3FB6] =	sst s8  }
0x11: {  	[smem:$0x3FB7] =	sst s9;
	s0 =	simm.s32 @!p0 $0x0  }
0x12: {  	s1 =	sld [smem:$0x3F9D];
	s0 =	simm.s32 @p0 $0x1  }
0x13: {  	[smem:$0x3FB8] =	sst s0;
	s0 =	simm.s32 @!p1 $0x0  }
0x14: {  	s2 =	sld [smem:$0x3F9C];
	s0 =	simm.s32 @p1 $0x1  }
0x15: {  	[smem:$0x3FB9] =	sst s0;
	s0 =	simm.s32 @!p2 $0x0  }
0x16: {  	s3 =	sld [smem:$0x3FDB];
	s0 =	simm.s32 @p2 $0x1  }
0x17: {  	s4 =	simm.s32 $0x1BF5;
	[smem:$0x3FBB] =	sst s0  }
0x18: {  	s0 =	sld [smem:$0x3F9E];
	_ =	swait.ge [sflag:s4], $0x0  }
0x19: {  	s7 =	sld [smem:$0x3F9F]  }
0x1a: {  	s8 =	sadd.s32 $0xFFFFE003, lr  }
0x1b: {  	s9 =	sadd.s32 $0xFFFFFEF7, lr;
	s5 =	simm.s32 $0xFFFFFFFF;
	p2 =	slt.u32 s8, $0xFFFFF086  }
0x1c: {  	p1 =	slt.u32 s9, $0xF7A;
	s5 =	simm.s32 @!p2 $0x0  }
0x1d: {  	s5 =	simm.s32 @p1 $0x1;
	p0 =	seq.s32 s7, s2  }
0x1e: {  	s7 =	smul.u32 @!p0 $0xF7A, s2;
	p2 =	seq.s32 @!p0 s5, $0x0  }
0x1f: {  	s9 =	smul.u32 $0xF7A, s1;
	s8 =	simm.s32 @!p0 $0x1BF5;
	p2 =	por !p2, p0  }
0x20: {  	[sflag:s8] =	ssyncset.s32 @!p0 $0xFFFFF086;
	s6 =	sadd.s32 @!p0 s3, s7;
	s7 =	simm.s32 @!p0 $0x108  }
0x21: {  	s3 =	sadd.s32 s3, s9;
	s6 =	sadd.s32 @!p0 $0x88, s6;
	s7 =	simm.s32 @p2 $0x1082  }
0x22: {  	[simem:s7], [sflag:s8] =	dma.local @!p0 [hbm:s6], $0xF7A  }
0x23: {  	s9 =	sor.u32 $0xD0000000, s2;
	s6 =	simm.s32 $0x108;
	_ =	swait.ge @!p0 [sflag:s8], $0x0  }
0x24: {  	s3 =	sadd.s32 $0x88, s3;
	s6 =	simm.s32 @!p1 $0x1082;
	[sflag:s4] =	ssyncset.s32 $0xFFFFF086  }
0x25: {  	[simem:s6], [sflag:s4] =	dma.local [hbm:s3], $0xF7A  }
0x26: {  	[smem:$0x3F9F] =	sst s1;
	(tag) =	ssettag s2;
	_ =	strace s9  }
0x27: {  	s1 =	sld [smem:$0x3FAF]  }
0x28: {  	s2 =	sld [smem:$0x3FB0]  }
0x29: {  	s4 =	sld [smem:$0x3FB2]  }
0x2a: {  	p0 =	seq.s32 s5, $0x0;
	s5 =	sld [smem:$0x3FB3]  }
0x2b: {  	s6 =	sld [smem:$0x3FB4]  }
0x2c: {  	s7 =	sld [smem:$0x3FB5]  }
0x2d: {  	s3 =	simm.s32 $0x108;
	s8 =	sld [smem:$0x3FB6]  }
0x2e: {  	s3 =	simm.s32 @!p0 $0x1082;
	s9 =	sld [smem:$0x3FB7]  }
0x2f: {  	lr =	sadd.s32 s0, s3;
	s0 =	sld [smem:$0x3FAE]  }
0x30: {  	s3 =	sld [smem:$0x3FB1]  }
0x31: {  	[smem:$0x3FBA] =	sst s10  }
0x32: {  	s10 =	sld [smem:$0x3FB8];
	_ =	sdelay $0x3  }
0x33: {  	p0 =	seq.s32 s10, $0x1;
	s10 =	sld [smem:$0x3FBA];
	_ =	sdelay $0x3  }
0x34: {  	[smem:$0x3FBA] =	sst s10  }
0x35: {  	s10 =	sld [smem:$0x3FB9];
	_ =	sdelay $0x3  }
0x36: {  	p1 =	seq.s32 s10, $0x1;
	s10 =	sld [smem:$0x3FBA];
	_ =	sdelay $0x3  }
0x37: {  	[smem:$0x3FBA] =	sst s10  }
0x38: {  	s10 =	sld [smem:$0x3FBB]  }
0x39: {  	_ = 	snop;
	(pc) =	sbr.ind lr, $3  }
0x3a: {  	_ = 	snop  }
0x3b: {  	_ = 	snop  }
0x3c: {  	p2 =	seq.s32 s10, $0x1;
	s10 =	sld [smem:$0x3FBA]  }
0x3d: {  	_ =	shalt  }
0x3e: {  	_ =	shalt  }
0x3f: {  	_ =	shalt  }
0x40: {  	_ =	shalt  }
0x41: {  	_ =	shalt  }
0x42: {  	_ =	shalt  }
0x43: {  	_ =	shalt  }
0x44: {  	_ =	shalt  }
0x45: {  	_ =	shalt  }
0x46: {  	_ =	shalt  }
0x47: {  	_ =	shalt  }
0x48: {  	_ =	shalt  }
0x49: {  	_ =	shalt  }
0x4a: {  	_ =	shalt  }
0x4b: {  	_ =	shalt  }
0x4c: {  	_ =	shalt  }
0x4d: {  	_ =	shalt  }
0x4e: {  	_ =	shalt  }
0x4f: {  	_ =	shalt  }
0x50: {  	_ =	shalt  }
0x51: {  	_ =	shalt  }
0x52: {  	_ =	shalt  }
0x53: {  	_ =	shalt  }
0x54: {  	_ =	shalt  }
0x55: {  	_ =	shalt  }
0x56: {  	_ =	shalt  }
0x57: {  	_ =	shalt  }
0x58: {  	_ =	shalt  }
0x59: {  	_ =	shalt  }
0x5a: {  	_ =	shalt  }
0x5b: {  	_ =	shalt  }
0x5c: {  	_ =	shalt  }
0x5d: {  	_ =	shalt  }
0x5e: {  	_ =	shalt  }
0x5f: {  	_ =	shalt  }
0x60: {  	_ =	shalt  }
0x61: {  	_ =	shalt  }
0x62: {  	_ =	shalt  }
0x63: {  	_ =	shalt  }
0x64: {  	_ =	shalt  }
0x65: {  	_ =	shalt  }
0x66: {  	_ =	shalt  }
0x67: {  	_ =	shalt  }
0x68: {  	_ =	shalt  }
0x69: {  	_ =	shalt  }
0x6a: {  	_ =	shalt  }
0x6b: {  	_ =	shalt  }
0x6c: {  	_ =	shalt  }
0x6d: {  	_ =	shalt  }
0x6e: {  	_ =	shalt  }
0x6f: {  	_ =	shalt  }
0x70: {  	_ =	shalt  }
0x71: {  	_ =	shalt  }
0x72: {  	_ =	shalt  }
0x73: {  	_ =	shalt  }
0x74: {  	_ =	shalt  }
0x75: {  	_ =	shalt  }
0x76: {  	_ =	shalt  }
0x77: {  	_ =	shalt  }
0x78: {  	_ =	shalt  }
0x79: {  	_ =	shalt  }
0x7a: {  	_ =	shalt  }
0x7b: {  	_ =	shalt  }
0x7c: {  	_ =	shalt  }
0x7d: {  	_ =	shalt  }
0x7e: {  	_ =	shalt  }
0x7f: {  	_ =	shalt  }
0x80: {  	_ =	shalt  }
0x81: {  	_ =	shalt  }
0x82: {  	_ =	shalt  }
0x83: {  	_ =	shalt  }
0x84: {  	_ =	shalt  }
0x85: {  	_ =	shalt  }
0x86: {  	_ =	shalt  }
0x87: {  	_ =	shalt  }
.Lfunc_end0:
.L_simem_size_0:
called_computation_lowered:
.L_overlay_start_0:
0x88: {  	s2 =	sld [smem:$0x3FD9]  }
0x89: {  	s3 =	sld [smem:$0x3FFE];
	_ =	sdelay $0x1  }
0x8a: {  	s1 =	srdreg.scid  }
0x8b: {  	s0 =	sand.u32 $0x1, s1  }
0x8c: {  	s17 =	sshll.u32 s0, $0xA;
	s2 =	sadd.s32 s3, s2  }
0x8d: {  	s2 =	sadd.s32 s2, s17  }
0x8e: {  	[smem:$0x3FC6] =	sst s2  }
0x8f: {  	_ = 	snop  }
0x90: {  	s2 =	sld [smem:$0x3FC9]  }
0x91: {  	s18 =	sld [smem:$0x3FD0];
	(tm) =	ssettm $0x1  }
0x92: {  	s4 =	sld [smem:$0x3FFB];
	_ =	sdelay $0x3  }
0x93: {  	_ =	strace s4  }
0x94: {  	s4 =	sld [smem:$0x3FFC];
	_ =	sdelay $0x3  }
0x95: {  	_ =	strace s4  }
0x96: {  	s4 =	sld [smem:$0x3FFD];
	_ =	sdelay $0x3  }
0x97: {  	_ =	strace s4  }
0x98: {  	_ =	strace $0x8FFFFFFF  }
0x99: {  	s19 =	sld [smem:$0x3FDB];
	_ =	sdelay $0x1  }
0x9a: {  	s5 =	simm.s32 $_scs_section_size  }
0x9b: {  	s6 =	simm.s32 $_size__tile_overlayer_lowered;
	s7 =	simm.s32 $_tile_overlayer_lowered  }
0x9c: {  	s22 =	simm.s32 $0x1BFF;
	s21 =	sshll.u32 s7, $0x1;
	s4 =	sadd.s32 s5, s19  }
0x9d: {  	s8 =	simm.s32 $0x0;
	s20 =	sshll.u32 s6, $0x1;
	s6 =	sadd.s32 s21, s4  }
0x9e: {  	[timem:s8], [sflag:s22] =	dma.local [hbm:s6], s20  }
0x9f: {  	_ =	swait.ge [sflag:s22], s20  }
0xa0: {  	s5 =	ssub.s32 $0x0, s20;
	[sflag:s22] =	ssyncset.done $0x0  }
0xa1: {  	[sflag:s22] =	ssyncadd.s32 s5;
	_ =	sdelay $0x1  }
0xa2: {  	s23 =	simm.s32 $0x1B8B  }
0xa3: {  	_ =	swait.ge [sflag:s23], $0x1  }
0xa4: {  	[sflag:s23] =	ssyncset.done $0x0  }
0xa5: {  	s25 =	simm.s32 $0x1B8E;
	s24 =	sld [smem:$0x3FFE];
	[sflag:s23] =	ssyncadd.s32 $0xFFFFFFFF  }
0xa6: {  	s26 =	simm.s32 $execute0_lowered;
	[smem:$0x3FD2] =	sst s25  }
0xa7: {  	s6 =	sshll.u32 s26, $0x1;
	_ =	strace $0x80000046;
	[dreg:$0x1] =	wrdreg $0xFFFFFFFF  }
0xa8: {  	s28 =	simm.s32 $_size_execute0_lowered;
	s4 =	sadd.s32 s4, s6;
	[dreg:$0x0] =	wrdreg $0x0  }
0xa9: {  	s6 =	sshll.u32 s28, $0x1;
	[dreg:$0x2] =	wrdreg s4  }
0xaa: {  	[dreg:$0x3] =	wrdreg s6  }
0xab: {  	[dreg:$0x4] =	wrdreg $0xC0  }
0xac: {  	_ =	task [dreg:s8], $0x5FFFF  }
0xad: {  	[dreg:$0x1] =	wrdreg $0xFFFFFFFF  }
0xae: {  	[dreg:$0x0] =	wrdreg $0x60  }
0xaf: {  	[dreg:$0x2] =	wrdreg s2  }
0xb0: {  	[dreg:$0x3] =	wrdreg s24  }
0xb1: {  	[dreg:$0x4] =	wrdreg s18  }
0xb2: {  	[dreg:$0x5] =	wrdreg $0x9  }
0xb3: {  	_ =	task.clear_ibuf [dreg:s8], $0x6FFFF;
	_ =	strace $0x90000046  }
0xb4: {  	s29 =	simm.s32 $0x9;
	_ =	strace $0x80000048  }
0xb5: {  	_ =	swait.ge [sflag:s29], $0x1  }
0xb6: {  	[sflag:s29] =	ssyncadd.s32 $0xFFFFFFFF  }
0xb7: {  	_ =	strace $0x90000048  }
0xb8: {  	_ =	sfence  }
0xb9: {  	s30 =	sld [smem:$0x0];
	_ =	sdelay $0x2  }
0xba: {  	s31 =	sshll.u32 s1, $0xD;
	s1 =	sshrl.u32 s1, $0x2  }
0xbb: {  	s3 =	sand.u32 $0x4000, s31;
	s1 =	sadd.s32 s1, s30  }
0xbc: {  	s0 =	sor.u32 s3, s0;
	s1 =	sshll.u32 s1, $0x11  }
0xbd: {  	s0 =	sor.u32 s1, s0  }
0xbe: {  	s0 =	sadd.s32 $0x8F2B, s0  }
0xbf: {  	[sflag:s0] =	ssyncadd.remote.s32 $0x1  }
0xc0: {  	_ =	sfence.sel $0xFFFF  }
0xc1: {  	[dreg:$0x0] =	wrdreg $0xFFFFFFFF;
	(pc) =	sbr.abs _section_cstart, $3  }
0xc2: {  	[dreg:$0x1] =	wrdreg $0xFFFFFFFF  }
0xc3: {  	_ =	task.clear_ibuf [dreg:s8], $0x2FFFF;
	_ =	strace $0x9FFFFFFF  }
0xc4: {  	(tm) =	ssettm $0x7FFFFFFF  }
0xc5: {  	_ =	shalt  }
tec
execute0_lowered:
.L_overlay_start_1:
0x0: {  	(tag) =	ssettag $0x1  }
0x1: {  	s1 =	rddreg [dreg:$0x0]  }
0x2: {  	s4 =	rddreg [dreg:$0x1];
	s2 =	srdreg.scid  }
0x3: {  	s0 =	stileid.u32;
	s5 =	rddreg [dreg:$0x2];
	s3 =	simm.s32 $0x0  }
0x4: {  	s10 =	simm.s32 $0x80;
	s11 =	simm.s32 $0x4280;
	s12 =	simm.s32 $0x100  }
0x5: {  	s13 =	simm.s32 $0x8100;
	s14 =	simm.s32 $0x180;
	s15 =	simm.s32 $0xBF80  }
0x6: {  	s16 =	simm.s32 $0x200;
	s17 =	simm.s32 $0xFE00;
	s18 =	simm.s32 $0x280  }
0x7: {  	s19 =	simm.s32 $0x13C80;
	s20 =	simm.s32 $0x300;
	s21 =	simm.s32 $0x17B00  }
0x8: {  	s22 =	simm.s32 $0x380;
	s23 =	simm.s32 $0x1B980;
	s24 =	simm.s32 $0x1  }
0x9: {  	s25 =	simm.s32 $0x0;
	s6 =	sand.u32 $0x1, s2;
	s2 =	rddreg [dreg:$0x3]  }
0xa: {  	s7 =	sshll.u32 s0, $0x1;
	[smem:$0x7FF] =	sst s3;
	s9 =	smul.u32 $0x2EE00, s0  }
0xb: {  	s7 =	sor.u32 s6, s7;
	s8 =	ssub.s32 $0x2, s6;
	s6 =	smul.u32 $0x17700, s6  }
0xc: {  	_ =	strace $0x80000047;
	s7 =	smul.u32 $0x300, s7;
	s31 =	sadd.s32 s9, s5  }
0xd: {  	s30 =	sshrl.u32 s8, $0x1;
	s9 =	simm.s32 $0x400;
	s6 =	sadd.s32 s6, s31  }
0xe: {  	s4 =	sadd.s32 s7, s4;
	s7 =	ssub.s32 s8, s30;
	s8 =	simm.s32 $0x7D  }
0xf: {  	s4 =	sadd.s32 $0x400, s4;
	s5 =	smax.u32 s7, $0x1;
	s7 =	simm.s32 $0x2  }
.LBB2_1:
0x10: {  	s26 =	sadd.s32 $0x0, s4  }
0x11: {  	[tilespmem:s3], [sflag:$0x2] =	stream.linear.gather [hbm4b:s26+s3], $0x400, $0x38;
	[tilespmem:$0x1F800] =	vst v63  }
0x12: {  	_ =	swait.ge [sflag:s7], $0x400  }
0x13: {  	[sflag:s7] =	ssyncset.done $0x0  }
0x14: {  	[sflag:s7] =	ssyncadd.s32 $0xFFFFFC00  }
0x15: {  	[tilespmem:s9], [sflag:$0x1] =	stream.indirect.gather [hbm4b:s1+s8], $0x80, s3, s8, $0xb8;
	[tilespmem:$0x1F800] =	vst v63  }
0x16: {  	_ = 	snop  }
0x17: {  	[tilespmem:s11], [sflag:$0x1] =	stream.indirect.gather [hbm4b:s1+s8], $0x80, s10, s8, $0xb8;
	[tilespmem:$0x1F800] =	vst v63  }
0x18: {  	_ = 	snop  }
0x19: {  	[tilespmem:s13], [sflag:$0x1] =	stream.indirect.gather [hbm4b:s1+s8], $0x80, s12, s8, $0xb8;
	[tilespmem:$0x1F800] =	vst v63  }
0x1a: {  	_ = 	snop  }
0x1b: {  	[tilespmem:s15], [sflag:$0x1] =	stream.indirect.gather [hbm4b:s1+s8], $0x80, s14, s8, $0xb8;
	[tilespmem:$0x1F800] =	vst v63  }
0x1c: {  	_ = 	snop  }
0x1d: {  	[tilespmem:s17], [sflag:$0x1] =	stream.indirect.gather [hbm4b:s1+s8], $0x80, s16, s8, $0xb8;
	[tilespmem:$0x1F800] =	vst v63  }
0x1e: {  	_ = 	snop  }
0x1f: {  	[tilespmem:s19], [sflag:$0x1] =	stream.indirect.gather [hbm4b:s1+s8], $0x80, s18, s8, $0xb8;
	[tilespmem:$0x1F800] =	vst v63  }
0x20: {  	_ = 	snop  }
0x21: {  	[tilespmem:s21], [sflag:$0x1] =	stream.indirect.gather [hbm4b:s1+s8], $0x80, s20, s8, $0xb8;
	[tilespmem:$0x1F800] =	vst v63  }
0x22: {  	_ = 	snop  }
0x23: {  	[tilespmem:s23], [sflag:$0x1] =	stream.indirect.gather [hbm4b:s1+s8], $0x80, s22, s8, $0xb8;
	[tilespmem:$0x1F800] =	vst v63  }
0x24: {  	_ =	swait.ge [sflag:s24], $0x3E80  }
0x25: {  	[sflag:s24] =	ssyncset.done $0x0  }
0x26: {  	[sflag:s24] =	ssyncadd.s32 $0xFFFFC180  }
0x27: {  	_ =	swait.ge [sflag:s24], $0x3E80  }
0x28: {  	[sflag:s24] =	ssyncset.done $0x0  }
0x29: {  	[sflag:s24] =	ssyncadd.s32 $0xFFFFC180  }
0x2a: {  	_ =	swait.ge [sflag:s24], $0x3E80  }
0x2b: {  	[sflag:s24] =	ssyncset.done $0x0  }
0x2c: {  	[sflag:s24] =	ssyncadd.s32 $0xFFFFC180  }
0x2d: {  	_ =	swait.ge [sflag:s24], $0x3E80  }
0x2e: {  	[sflag:s24] =	ssyncset.done $0x0  }
0x2f: {  	[sflag:s24] =	ssyncadd.s32 $0xFFFFC180  }
0x30: {  	_ =	swait.ge [sflag:s24], $0x3E80  }
0x31: {  	[sflag:s24] =	ssyncset.done $0x0  }
0x32: {  	[sflag:s24] =	ssyncadd.s32 $0xFFFFC180  }
0x33: {  	_ =	swait.ge [sflag:s24], $0x3E80  }
0x34: {  	[sflag:s24] =	ssyncset.done $0x0  }
0x35: {  	[sflag:s24] =	ssyncadd.s32 $0xFFFFC180  }
0x36: {  	_ =	swait.ge [sflag:s24], $0x3E80  }
0x37: {  	[sflag:s24] =	ssyncset.done $0x0  }
0x38: {  	[sflag:s24] =	ssyncadd.s32 $0xFFFFC180  }
0x39: {  	_ =	swait.ge [sflag:s24], $0x3E80  }
0x3a: {  	[sflag:s24] =	ssyncset.done $0x0  }
0x3b: {  	[sflag:s24] =	ssyncadd.s32 $0xFFFFC180  }
0x3c: {  	[hbm4b:s6+s3] =	stream.linear.scatter [tilespmem:s9], [sflag:$0x2], $0x1F400, $0x38;
	[tilespmem:$0x1F800] =	vst v63  }
0x3d: {  	s28 =	simm.s32 $0x80;
	_ =	swait.ge [sflag:s7], $0x1F400  }
0x3e: {  	s30 =	simm.s32 $0x100;
	s26 =	sadd.s32 $0x3E80, s6;
	[sflag:s7] =	ssyncset.done $0x0  }
.LBB2_2:
0x3f: {  	s31 =	sadd.s32 s28, s4  }
0x40: {  	[sflag:s7] =	ssyncadd.s32 $0xFFFE0C00;
	s28 =	smov.u32 s30;
	s29 =	sadd.s32 $0x80, s30  }
0x41: {  	[tilespmem:s3], [sflag:$0x2] =	stream.linear.gather [hbm4b:s31+s3], $0x400, $0x38;
	[tilespmem:$0x1F800] =	vst v63  }
0x42: {  	p0 =	sne.s32 s30, $0x280;
	_ =	swait.ge [sflag:s7], $0x400  }
0x43: {  	[sflag:s7] =	ssyncset.done $0x0  }
0x44: {  	[sflag:s7] =	ssyncadd.s32 $0xFFFFFC00  }
0x45: {  	[tilespmem:s9], [sflag:$0x1] =	stream.indirect.gather [hbm4b:s1+s8], $0x80, s3, s8, $0xb8;
	[tilespmem:$0x1F800] =	vst v63  }
0x46: {  	_ = 	snop  }
0x47: {  	[tilespmem:s11], [sflag:$0x1] =	stream.indirect.gather [hbm4b:s1+s8], $0x80, s10, s8, $0xb8;
	[tilespmem:$0x1F800] =	vst v63  }
0x48: {  	_ = 	snop  }
0x49: {  	[tilespmem:s13], [sflag:$0x1] =	stream.indirect.gather [hbm4b:s1+s8], $0x80, s12, s8, $0xb8;
	[tilespmem:$0x1F800] =	vst v63  }
0x4a: {  	_ = 	snop  }
0x4b: {  	[tilespmem:s15], [sflag:$0x1] =	stream.indirect.gather [hbm4b:s1+s8], $0x80, s14, s8, $0xb8;
	[tilespmem:$0x1F800] =	vst v63  }
0x4c: {  	_ = 	snop  }
0x4d: {  	[tilespmem:s17], [sflag:$0x1] =	stream.indirect.gather [hbm4b:s1+s8], $0x80, s16, s8, $0xb8;
	[tilespmem:$0x1F800] =	vst v63  }
0x4e: {  	_ = 	snop  }
0x4f: {  	[tilespmem:s19], [sflag:$0x1] =	stream.indirect.gather [hbm4b:s1+s8], $0x80, s18, s8, $0xb8;
	[tilespmem:$0x1F800] =	vst v63  }
0x50: {  	_ = 	snop  }
0x51: {  	[tilespmem:s21], [sflag:$0x1] =	stream.indirect.gather [hbm4b:s1+s8], $0x80, s20, s8, $0xb8;
	[tilespmem:$0x1F800] =	vst v63  }
0x52: {  	_ = 	snop  }
0x53: {  	[tilespmem:s23], [sflag:$0x1] =	stream.indirect.gather [hbm4b:s1+s8], $0x80, s22, s8, $0xb8;
	[tilespmem:$0x1F800] =	vst v63  }
0x54: {  	_ =	swait.ge [sflag:s24], $0x3E80  }
0x55: {  	[sflag:s24] =	ssyncset.done $0x0  }
0x56: {  	[sflag:s24] =	ssyncadd.s32 $0xFFFFC180  }
0x57: {  	_ =	swait.ge [sflag:s24], $0x3E80  }
0x58: {  	[sflag:s24] =	ssyncset.done $0x0  }
0x59: {  	[sflag:s24] =	ssyncadd.s32 $0xFFFFC180  }
0x5a: {  	_ =	swait.ge [sflag:s24], $0x3E80  }
0x5b: {  	[sflag:s24] =	ssyncset.done $0x0  }
0x5c: {  	[sflag:s24] =	ssyncadd.s32 $0xFFFFC180  }
0x5d: {  	_ =	swait.ge [sflag:s24], $0x3E80  }
0x5e: {  	[sflag:s24] =	ssyncset.done $0x0  }
0x5f: {  	[sflag:s24] =	ssyncadd.s32 $0xFFFFC180  }
0x60: {  	_ =	swait.ge [sflag:s24], $0x3E80  }
0x61: {  	[sflag:s24] =	ssyncset.done $0x0  }
0x62: {  	[sflag:s24] =	ssyncadd.s32 $0xFFFFC180  }
0x63: {  	_ =	swait.ge [sflag:s24], $0x3E80  }
0x64: {  	[sflag:s24] =	ssyncset.done $0x0  }
0x65: {  	[sflag:s24] =	ssyncadd.s32 $0xFFFFC180  }
0x66: {  	_ =	swait.ge [sflag:s24], $0x3E80  }
0x67: {  	[sflag:s24] =	ssyncset.done $0x0  }
0x68: {  	[sflag:s24] =	ssyncadd.s32 $0xFFFFC180  }
0x69: {  	_ =	swait.ge [sflag:s24], $0x3E80  }
.Ltmp0:
0x6a: {  	[sflag:s24] =	ssyncset.done $0x0;
	(pc) =	sbr.rel @p0 .LBB2_2-.Ltmp0, $4  }
0x6b: {  	[sflag:s24] =	ssyncadd.s32 $0xFFFFC180  }
0x6c: {  	[hbm4b:s26+s3] =	stream.linear.scatter [tilespmem:s9], [sflag:$0x2], $0x1F400, $0x38;
	[tilespmem:$0x1F800] =	vst v63  }
0x6d: {  	_ =	swait.ge [sflag:s7], $0x1F400  }
0x6e: {  	s30 =	smov.u32 s29;
	s26 =	sadd.s32 $0x3E80, s26;
	[sflag:s7] =	ssyncset.done $0x0  }
0x6f: {  	s28 =	sadd.s32 s28, s4;
	[sflag:s7] =	ssyncadd.s32 $0xFFFE0C00  }
0x70: {  	[tilespmem:s3], [sflag:$0x2] =	stream.linear.gather [hbm4b:s28+s3], $0x400, $0x38;
	[tilespmem:$0x1F800] =	vst v63  }
0x71: {  	_ =	swait.ge [sflag:s7], $0x400  }
0x72: {  	[sflag:s7] =	ssyncset.done $0x0  }
0x73: {  	[sflag:s7] =	ssyncadd.s32 $0xFFFFFC00  }
0x74: {  	[tilespmem:s9], [sflag:$0x1] =	stream.indirect.gather [hbm4b:s1+s8], $0x80, s3, s8, $0xb8;
	[tilespmem:$0x1F800] =	vst v63  }
0x75: {  	_ = 	snop  }
0x76: {  	[tilespmem:s11], [sflag:$0x1] =	stream.indirect.gather [hbm4b:s1+s8], $0x80, s10, s8, $0xb8;
	[tilespmem:$0x1F800] =	vst v63  }
0x77: {  	_ = 	snop  }
0x78: {  	[tilespmem:s13], [sflag:$0x1] =	stream.indirect.gather [hbm4b:s1+s8], $0x80, s12, s8, $0xb8;
	[tilespmem:$0x1F800] =	vst v63  }
0x79: {  	_ = 	snop  }
0x7a: {  	[tilespmem:s15], [sflag:$0x1] =	stream.indirect.gather [hbm4b:s1+s8], $0x80, s14, s8, $0xb8;
	[tilespmem:$0x1F800] =	vst v63  }
0x7b: {  	_ = 	snop  }
0x7c: {  	[tilespmem:s17], [sflag:$0x1] =	stream.indirect.gather [hbm4b:s1+s8], $0x80, s16, s8, $0xb8;
	[tilespmem:$0x1F800] =	vst v63  }
0x7d: {  	_ = 	snop  }
0x7e: {  	[tilespmem:s19], [sflag:$0x1] =	stream.indirect.gather [hbm4b:s1+s8], $0x80, s18, s8, $0xb8;
	[tilespmem:$0x1F800] =	vst v63  }
0x7f: {  	_ = 	snop  }
0x80: {  	[tilespmem:s21], [sflag:$0x1] =	stream.indirect.gather [hbm4b:s1+s8], $0x80, s20, s8, $0xb8;
	[tilespmem:$0x1F800] =	vst v63  }
0x81: {  	_ = 	snop  }
0x82: {  	[tilespmem:s23], [sflag:$0x1] =	stream.indirect.gather [hbm4b:s1+s8], $0x80, s22, s8, $0xb8;
	[tilespmem:$0x1F800] =	vst v63  }
0x83: {  	_ =	swait.ge [sflag:s24], $0x3E80  }
0x84: {  	[sflag:s24] =	ssyncset.done $0x0  }
0x85: {  	[sflag:s24] =	ssyncadd.s32 $0xFFFFC180  }
0x86: {  	_ =	swait.ge [sflag:s24], $0x3E80  }
0x87: {  	[sflag:s24] =	ssyncset.done $0x0  }
0x88: {  	[sflag:s24] =	ssyncadd.s32 $0xFFFFC180  }
0x89: {  	_ =	swait.ge [sflag:s24], $0x3E80  }
0x8a: {  	[sflag:s24] =	ssyncset.done $0x0  }
0x8b: {  	[sflag:s24] =	ssyncadd.s32 $0xFFFFC180  }
0x8c: {  	_ =	swait.ge [sflag:s24], $0x3E80  }
0x8d: {  	[sflag:s24] =	ssyncset.done $0x0  }
0x8e: {  	[sflag:s24] =	ssyncadd.s32 $0xFFFFC180  }
0x8f: {  	_ =	swait.ge [sflag:s24], $0x3E80  }
0x90: {  	[sflag:s24] =	ssyncset.done $0x0  }
0x91: {  	[sflag:s24] =	ssyncadd.s32 $0xFFFFC180  }
0x92: {  	_ =	swait.ge [sflag:s24], $0x3E80  }
0x93: {  	[sflag:s24] =	ssyncset.done $0x0  }
0x94: {  	[sflag:s24] =	ssyncadd.s32 $0xFFFFC180  }
0x95: {  	_ =	swait.ge [sflag:s24], $0x3E80  }
0x96: {  	[sflag:s24] =	ssyncset.done $0x0  }
0x97: {  	[sflag:s24] =	ssyncadd.s32 $0xFFFFC180  }
0x98: {  	s25 =	sadd.s32 $0x1, s25;
	_ =	swait.ge [sflag:s24], $0x3E80  }
0x99: {  	p0 =	sne.s32 s25, s5;
	[sflag:s24] =	ssyncset.done $0x0  }
.Ltmp1:
0x9a: {  	[sflag:s24] =	ssyncadd.s32 $0xFFFFC180;
	(pc) =	sbr.rel @p0 .LBB2_1-.Ltmp1, $4  }
0x9b: {  	[hbm4b:s26+s3] =	stream.linear.scatter [tilespmem:s9], [sflag:$0x2], $0x1F400, $0x38;
	[tilespmem:$0x1F800] =	vst v63  }
0x9c: {  	_ =	swait.ge [sflag:s7], $0x1F400  }
0x9d: {  	[sflag:s7] =	ssyncset.done $0x0  }
0x9e: {  	[sflag:s7] =	ssyncadd.s32 $0xFFFE0C00  }
0x9f: {  	_ =	sfence.sel $0x180000  }
0xa0: {  	[bflag:$0x0] =	sbarrier.arrive $0xFFFF  }
0xa1: {  	p0 =	sne.s32 s0, $0x0;
	_ =	strace $0x90000047  }
0xa2: {  	s0 =	sadd.s32 @!p0 $0x100000, s2;
	[bflag:$0x2] =	sbarrier.arrive $0xFFFF  }
0xa3: {  	[sflag:s0] =	ssyncadd.tile.s32 @!p0 $0x1;
	_ =	shalt  }
.Lfunc_end2:
_tile_overlayer_lowered:
.L_overlay_start_2:
0xa4: {  	(tag) =	ssettag $0x2  }
0xa5: {  	s0 =	rddreg [dreg:$0x0];
	s2 =	stileid.u32  }
0xa6: {  	s1 =	rddreg [dreg:$0x1];
	p0 =	sne.s32 s2, $0x0  }
0xa7: {  	s3 =	rddreg [dreg:$0x2];
	[bflag:$0x3] =	sbarrier.arrive $0xFFFF;
	s2 =	simm.s32 @!p0 $0x1C02  }
0xa8: {  	[timem:s3], [sflag:s2] =	dma.local @!p0 [hbm:s0], s1  }
0xa9: {  	s0 =	simm.s32 @!p0 $0x2  }
0xaa: {  	_ =	swait.ge @!p0 [sflag:s0], s1  }
0xab: {  	s1 =	ssub.s32 @!p0 $0x0, s1;
	[sflag:s0] =	ssyncset.done @!p0 $0x0  }
0xac: {  	[sflag:s0] =	ssyncadd.s32 @!p0 s1  }
0xad: {  	[bflag:$0x3] =	sbarrier.arrive $0xFFFF  }
0xae: {  	_ =	shalt  }

</sc_bundles>
